<compile_context>
chip_gen: v7x
topology: tpu7x:2x2x1
jax: 0.10.2.dev20260603
libtpu: 0.0.44.dev20260713+nightly
codegen_flags: <defaults>
</compile_context>

<pallas_src>
import functools

import jax
import jax.numpy as jnp
from jax import lax
from jax.experimental import pallas as pl
from jax.experimental.pallas import tpu as pltpu
from jax.experimental.pallas import tpu_sc as plsc

B = 16384
USER_DIM = 128
LOC_DIM = 64
K = 64
EPS = 1e-08
BM = 2048
GRID = B // BM

NC, NS, NL = 2, 16, 16
NW = NC * NS
BPW = B // NW
RW = 128


def _route_body(fu, w1, b1, w2, b2, w3, b3, thb, idx_ref, bias_ref):
    xt = fu[...].T
    h = jnp.dot(w1[...], xt, preferred_element_type=jnp.float32) + b1[...]
    h = jnp.maximum(h, 0.01 * h)
    h = jnp.dot(w2[...], h, preferred_element_type=jnp.float32) + b2[...]
    h = jnp.maximum(h, 0.01 * h)
    logits = jnp.dot(w3[...], h, preferred_element_type=jnp.float32) + b3[...]
    colmax = jnp.max(logits, axis=0, keepdims=True)
    iota = lax.broadcasted_iota(jnp.int32, (K, BM), 0)
    first = jnp.min(jnp.where(logits == colmax, iota, K), axis=0, keepdims=True)
    idx_ref[...] = first
    onehot = (iota == first).astype(jnp.float32)
    dn = (((1,), (0,)), ((), ()))
    bias_ref[...] = lax.dot_general(thb[...], onehot, dn,
                                    preferred_element_type=jnp.float32,
                                    precision=lax.Precision.HIGHEST)


def _sc_body(th_hbm, idx_hbm, g_hbm, idx_v, rows_v, sem):
    wid = lax.axis_index("s") * NC + lax.axis_index("c")
    base = wid * BPW
    pltpu.sync_copy(idx_hbm.at[pl.ds(base, BPW)], idx_v)
    pltpu.async_copy(th_hbm.at[idx_v], rows_v, sem).wait()
    pltpu.sync_copy(rows_v, g_hbm.at[pl.ds(base, BPW)])


def _tail_body(g, fl, bias, fpt, out_ref, acc_ref):
    i = pl.program_id(0)

    @pl.when(i == 0)
    def _init():
        acc_ref[0] = 0.0

    gt = g[...].T
    locT = fl[...].T
    bb = bias[...]
    mu = jnp.sum(gt[0:LOC_DIM] * locT, axis=0, keepdims=True) + bb[0:1]
    sd = jnp.sum(gt[LOC_DIM:2 * LOC_DIM] * locT, axis=0, keepdims=True) \
        + bb[1:2]
    d = jnp.abs(sd) + EPS
    r = (mu - fpt[...]) / d
    acc_ref[0] += jnp.sum(jnp.log(d) - 0.5 * (r * r))

    @pl.when(i == GRID - 1)
    def _fin():
        out_ref[0, 0] = -acc_ref[0] / B


@jax.jit
def _run(feat_user, feat_loc, feat_price, W1, b1, W2, b2, W3, b3, theta):
    full = lambda a: pl.BlockSpec(a.shape, lambda i: (0,) * a.ndim)
    thb = theta[:, :, LOC_DIM].T
    rargs = (feat_user, W1, b1.reshape(32, 1), W2, b2.reshape(16, 1),
             W3, b3.reshape(K, 1), thb)
    idx2d, bias = pl.pallas_call(
        _route_body,
        grid=(GRID,),
        in_specs=[pl.BlockSpec((BM, USER_DIM), lambda i: (i, 0))] +
                 [full(a) for a in rargs[1:]],
        out_specs=[pl.BlockSpec((1, BM), lambda i: (0, i)),
                   pl.BlockSpec((2, BM), lambda i: (0, i))],
        out_shape=[jax.ShapeDtypeStruct((1, B), jnp.int32),
                   jax.ShapeDtypeStruct((2, B), jnp.float32)],
    )(*rargs)
    idx = idx2d.reshape(B)
    th2 = jnp.concatenate(
        [theta[:, 0, :LOC_DIM], theta[:, 1, :LOC_DIM]], axis=1)

    g = pl.kernel(
        _sc_body,
        mesh=plsc.VectorSubcoreMesh(core_axis_name="c", subcore_axis_name="s"),
        out_type=jax.ShapeDtypeStruct((B, RW), jnp.float32),
        scratch_types=[pltpu.VMEM((BPW,), jnp.int32),
                       pltpu.VMEM((BPW, RW), jnp.float32),
                       pltpu.SemaphoreType.DMA],
    )(th2, idx)

    out = pl.pallas_call(
        _tail_body,
        grid=(GRID,),
        in_specs=[pl.BlockSpec((BM, RW), lambda i: (i, 0)),
                  pl.BlockSpec((BM, LOC_DIM), lambda i: (i, 0)),
                  pl.BlockSpec((2, BM), lambda i: (0, i)),
                  pl.BlockSpec((1, BM), lambda i: (0, i))],
        out_specs=pl.BlockSpec(memory_space=pltpu.SMEM),
        out_shape=jax.ShapeDtypeStruct((1, 1), jnp.float32),
        scratch_shapes=[pltpu.SMEM((1,), jnp.float32)],
    )(g, feat_loc, bias, feat_price.reshape(1, B))
    return out[0, 0]


def kernel(feat_user, feat_loc, feat_price, W1, b1, W2, b2, W3, b3, theta):
    return _run(feat_user, feat_loc, feat_price, W1, b1, W2, b2, W3, b3, theta)

# --- scband reference (transcript-rebuilt; emitter-appended) ---
"""Pipeline reference for scband-mi-price-likelihood-v2-31808527794606 (READ-ONLY COPY).

The authoritative reference and input builder live on the scoring server;
editing this copy changes nothing except your own understanding.
"""

import jax, jax.numpy as jnp
import numpy as np

B = 16384
USER_DIM = 128
LOC_DIM = 64
K = 64
EPS = 1e-08


def setup_inputs(seed: int = 0) -> dict:
    key = jax.random.key(seed)
    ks = jax.random.split(key, 12)
    feat_user = jax.random.normal(ks[0], (B, USER_DIM), dtype=jnp.float32)
    feat_loc = jax.random.normal(ks[1], (B, LOC_DIM), dtype=jnp.float32)
    feat_price = jax.random.uniform(ks[2], (B, 1), dtype=jnp.float32)
    # user_net parameters (PyTorch nn.Linear default init: U(-1/sqrt(fan_in), 1/sqrt(fan_in)))
    def lin(k, fan_in, fan_out):
        k1, k2 = jax.random.split(k)
        bound = 1.0 / np.sqrt(fan_in)
        W = jax.random.uniform(k1, (fan_out, fan_in), minval=-bound, maxval=bound, dtype=jnp.float32)
        b = jax.random.uniform(k2, (fan_out,), minval=-bound, maxval=bound, dtype=jnp.float32)
        return W, b
    W1, b1 = lin(ks[3], USER_DIM, 32)
    W2, b2 = lin(ks[4], 32, 16)
    W3, b3 = lin(ks[5], 16, K)
    # theta[K, 2, LOC_DIM+1]: row 0 ~ U(3,5), row 1 ~ U(0,1)
    theta_mu = jax.random.uniform(ks[6], (K, LOC_DIM + 1), minval=3.0, maxval=5.0, dtype=jnp.float32)
    theta_sd = jax.random.uniform(ks[7], (K, LOC_DIM + 1), minval=0.0, maxval=1.0, dtype=jnp.float32)
    theta = jnp.stack([theta_mu, theta_sd], axis=1)
    return {"feat_user": feat_user, "feat_loc": feat_loc, "feat_price": feat_price,
            "W1": W1, "b1": b1, "W2": W2, "b2": b2, "W3": W3, "b3": b3, "theta": theta}


def reference(feat_user, feat_loc, feat_price, W1, b1, W2, b2, W3, b3, theta):
    batch_size = feat_user.shape[0]
    # user_net: Linear -> LeakyReLU -> Linear -> LeakyReLU -> Linear -> Sigmoid
    h = jax.nn.leaky_relu(feat_user @ W1.T + b1, negative_slope=0.01)
    h = jax.nn.leaky_relu(h @ W2.T + b2, negative_slope=0.01)
    feat_attention = jax.nn.sigmoid(h @ W3.T + b3)
    # hard top-1 routing: pick one expert's regression params per token
    max_id = jnp.argmax(feat_attention, axis=1)  # [B]
    price_regression_parameter = jnp.take(theta, max_id, axis=0)  # [B, 2, LOC_DIM+1]
    one_mat = jnp.ones((feat_loc.shape[0], 1), dtype=feat_loc.dtype)
    aug_feat_loc = jnp.concatenate([feat_loc, one_mat], axis=1)  # [B, LOC_DIM+1]
    price_parameter = jnp.einsum('bij,bj->bi', price_regression_parameter, aug_feat_loc)  # [B, 2]
    mu = price_parameter[:, 0].reshape(-1, 1)
    delta = jnp.abs(price_parameter[:, 1]).reshape(-1, 1) + EPS
    ln_delta = jnp.log(delta).reshape(-1, 1)
    p_minus_mu = jnp.square(mu - feat_price)
    p_minus_mu_div_delta = p_minus_mu / jnp.square(delta) / 2.0
    loss = jnp.sum(ln_delta) - jnp.sum(p_minus_mu_div_delta)
    loss = loss / batch_size
    return -loss

if __name__ == "__main__":
    import jax
    _d = setup_inputs()
    print(jax.jit(kernel)(*tuple(_d.values())))

</pallas_src>

<mosaic_0001>
#map = affine_map<(d0, d1) -> (0, 0)>
#map1 = affine_map<(d0, d1) -> (0)>
module attributes {stable_mosaic.version = 14 : i64} {
  func.func @_sc_body(%arg0: i32, %arg1: i32, %arg2: memref<64x128xf32, #tpu.memory_space<hbm>>, %arg3: memref<16384xi32, #tpu.memory_space<hbm>>, %arg4: memref<16384x128xf32, #tpu.memory_space<hbm>>, %arg5: memref<512xi32, #tpu.memory_space<vmem>>, %arg6: memref<512x128xf32, #tpu.memory_space<vmem>>, %arg7: memref<!tpu.dma_semaphore, #tpu.memory_space<semaphore_mem>>) attributes {dimension_semantics = [#tpu.dimension_semantics<core_parallel>, #tpu.dimension_semantics<subcore_parallel>], iteration_bounds = array<i64: 2, 16>, scalar_prefetch = 0 : i64, scratch_operands = 3 : i64, tpu.core_type = #tpu.core_type<sc_vector_subcore>, window_params = [{transform_indices = #map}, {transform_indices = #map1}, {transform_indices = #map}]} {
    %mul3A = arith.constant 2 : i32
    %mul3A_0 = arith.muli %arg1, %mul3A : i32
    %add3A = arith.addi %mul3A_0, %arg0 : i32
    %mul3A_1 = arith.constant 512 : i32
    %mul3A_2 = arith.muli %add3A, %mul3A_1 : i32
    "tpu.region"() ({
      %run_scoped3A = tpu.sem_alloc : memref<!tpu.dma_semaphore, #tpu.memory_space<semaphore_mem>>
      %dma_start3A_7 = tpu.memref_slice %arg3[%mul3A_2] : memref<16384xi32, #tpu.memory_space<hbm>> -> memref<512xi32, #tpu.memory_space<hbm>>
      %dma_start3A_8 = tpu.memref_slice %arg3[%mul3A_2] : memref<16384xi32, #tpu.memory_space<hbm>> -> memref<512xi32, #tpu.memory_space<hbm>>
      tpu.enqueue_dma source(%dma_start3A_8 : memref<512xi32, #tpu.memory_space<hbm>>) target(%arg5 : memref<512xi32, #tpu.memory_space<vmem>>) target_semaphore(%run_scoped3A : memref<!tpu.dma_semaphore, #tpu.memory_space<semaphore_mem>>)
      %dma_wait3A_9 = tpu.memref_slice %arg3[%mul3A_2] : memref<16384xi32, #tpu.memory_space<hbm>> -> memref<512xi32, #tpu.memory_space<hbm>>
      %dma_wait3A_10 = tpu.memref_slice %arg3[%mul3A_2] : memref<16384xi32, #tpu.memory_space<hbm>> -> memref<512xi32, #tpu.memory_space<hbm>>
      tpu.wait_dma2 semaphore(%run_scoped3A : memref<!tpu.dma_semaphore, #tpu.memory_space<semaphore_mem>>) src(%dma_wait3A_10 : memref<512xi32, #tpu.memory_space<hbm>>) dst(%arg5 : memref<512xi32, #tpu.memory_space<vmem>>)
      tpu.yield
    }) : () -> ()
    %dma_start3A = arith.constant 0 : i32
    %dma_start3A_3 = arith.constant 0 : i32
    %dma_start3A_4 = tpu.memref_slice %arg2[%dma_start3A, %dma_start3A_3] : memref<64x128xf32, #tpu.memory_space<hbm>> -> memref<64x128xf32, #tpu.memory_space<hbm>>
    tpu.enqueue_indirect_dma source(%dma_start3A_4 : memref<64x128xf32, #tpu.memory_space<hbm>>) target(%arg6 : memref<512x128xf32, #tpu.memory_space<vmem>>) offsets(%arg5 : memref<512xi32, #tpu.memory_space<vmem>>) semaphore(%arg7 : memref<!tpu.dma_semaphore, #tpu.memory_space<semaphore_mem>>)
    %dma_wait3A = arith.constant 0 : i32
    %dma_wait3A_5 = arith.constant 0 : i32
    %dma_wait3A_6 = tpu.memref_slice %arg2[%dma_wait3A, %dma_wait3A_5] : memref<64x128xf32, #tpu.memory_space<hbm>> -> memref<64x128xf32, #tpu.memory_space<hbm>>
    tpu.wait_indirect_dma semaphore(%arg7 : memref<!tpu.dma_semaphore, #tpu.memory_space<semaphore_mem>>) src(%dma_wait3A_6 : memref<64x128xf32, #tpu.memory_space<hbm>>) dst(%arg6 : memref<512x128xf32, #tpu.memory_space<vmem>>)
    "tpu.region"() ({
      %run_scoped3A = tpu.sem_alloc : memref<!tpu.dma_semaphore, #tpu.memory_space<semaphore_mem>>
      %dma_start3A_7 = arith.constant 0 : i32
      %dma_start3A_8 = tpu.memref_slice %arg4[%mul3A_2, %dma_start3A_7] : memref<16384x128xf32, #tpu.memory_space<hbm>> -> memref<512x128xf32, #tpu.memory_space<hbm>>
      %dma_start3A_9 = arith.constant 0 : i32
      %dma_start3A_10 = tpu.memref_slice %arg4[%mul3A_2, %dma_start3A_9] : memref<16384x128xf32, #tpu.memory_space<hbm>> -> memref<512x128xf32, #tpu.memory_space<hbm>>
      tpu.enqueue_dma source(%arg6 : memref<512x128xf32, #tpu.memory_space<vmem>>) target(%dma_start3A_10 : memref<512x128xf32, #tpu.memory_space<hbm>>) target_semaphore(%run_scoped3A : memref<!tpu.dma_semaphore, #tpu.memory_space<semaphore_mem>>)
      %dma_wait3A_11 = arith.constant 0 : i32
      %dma_wait3A_12 = tpu.memref_slice %arg4[%mul3A_2, %dma_wait3A_11] : memref<16384x128xf32, #tpu.memory_space<hbm>> -> memref<512x128xf32, #tpu.memory_space<hbm>>
      %dma_wait3A_13 = arith.constant 0 : i32
      %dma_wait3A_14 = tpu.memref_slice %arg4[%mul3A_2, %dma_wait3A_13] : memref<16384x128xf32, #tpu.memory_space<hbm>> -> memref<512x128xf32, #tpu.memory_space<hbm>>
      tpu.wait_dma2 semaphore(%run_scoped3A : memref<!tpu.dma_semaphore, #tpu.memory_space<semaphore_mem>>) src(%arg6 : memref<512x128xf32, #tpu.memory_space<vmem>>) dst(%dma_wait3A_14 : memref<512x128xf32, #tpu.memory_space<hbm>>)
      tpu.yield
    }) : () -> ()
    return
  }
}

module attributes {stable_mosaic.version = 14 : i64} {
  func.func @_route_body(%arg0: i32, %arg1: memref<2048x128xf32, #tpu.memory_space<vmem>>, %arg2: memref<32x128xf32, #tpu.memory_space<vmem>>, %arg3: memref<32x1xf32, #tpu.memory_space<vmem>>, %arg4: memref<16x32xf32, #tpu.memory_space<vmem>>, %arg5: memref<16x1xf32, #tpu.memory_space<vmem>>, %arg6: memref<64x16xf32, #tpu.memory_space<vmem>>, %arg7: memref<64x1xf32, #tpu.memory_space<vmem>>, %arg8: memref<2x64xf32, #tpu.memory_space<vmem>>, %arg9: memref<1x2048xi32, #tpu.memory_space<vmem>>, %arg10: memref<2x2048xf32, #tpu.memory_space<vmem>>) attributes {dimension_semantics = [#tpu.dimension_semantics<arbitrary>], iteration_bounds = array<i64: 8>, scalar_prefetch = 0 : i64, scratch_operands = 0 : i64, tpu.core_type = #tpu.core_type<tc>, window_params = [{transform_indices = @transform_0, window_bounds = array<i64: 2048, 128>}, {pipeline_mode = #tpu.pipeline_mode<synchronous>, transform_indices = @transform_1, window_bounds = array<i64: 32, 128>}, {pipeline_mode = #tpu.pipeline_mode<synchronous>, transform_indices = @transform_2, window_bounds = array<i64: 32, 1>}, {pipeline_mode = #tpu.pipeline_mode<synchronous>, transform_indices = @transform_3, window_bounds = array<i64: 16, 32>}, {pipeline_mode = #tpu.pipeline_mode<synchronous>, transform_indices = @transform_4, window_bounds = array<i64: 16, 1>}, {pipeline_mode = #tpu.pipeline_mode<synchronous>, transform_indices = @transform_5, window_bounds = array<i64: 64, 16>}, {pipeline_mode = #tpu.pipeline_mode<synchronous>, transform_indices = @transform_6, window_bounds = array<i64: 64, 1>}, {pipeline_mode = #tpu.pipeline_mode<synchronous>, transform_indices = @transform_7, window_bounds = array<i64: 2, 64>}, {transform_indices = @transform_8, window_bounds = array<i64: 1, 2048>}, {transform_indices = @transform_9, window_bounds = array<i64: 2, 2048>}]} {
    %get3A = arith.constant 0 : index
    %get3A_0 = arith.constant 0 : index
    %get3A_1 = vector.load %arg1[%get3A, %get3A_0] : memref<2048x128xf32, #tpu.memory_space<vmem>>, vector<2048x128xf32>
    %transpose3A = tpu.transpose %get3A_1, [1, 0] : vector<2048x128xf32> -> vector<128x2048xf32>
    %get3A_2 = arith.constant 0 : index
    %get3A_3 = arith.constant 0 : index
    %get3A_4 = vector.load %arg2[%get3A_2, %get3A_3] : memref<32x128xf32, #tpu.memory_space<vmem>>, vector<32x128xf32>
    %dot_general3A = arith.constant dense<0.000000e+00> : vector<32x2048xf32>
    %dot_general3A_5 = tpu.matmul %get3A_4, %transpose3A, %dot_general3A {dimension_numbers = #tpu.dot_dimension_numbers<[1], [0], [0], [1], [0, 0, 1, 1], [], []>, transpose_lhs_hint = false} : vector<32x128xf32>, vector<128x2048xf32>, vector<32x2048xf32> -> vector<32x2048xf32>
    %get3A_6 = arith.constant 0 : index
    %get3A_7 = arith.constant 0 : index
    %get3A_8 = vector.load %arg3[%get3A_6, %get3A_7] : memref<32x1xf32, #tpu.memory_space<vmem>>, vector<32x1xf32>
    %add3A = vector.broadcast %get3A_8 : vector<32x1xf32> to vector<32x2048xf32>
    %add3A_9 = arith.addf %dot_general3A_5, %add3A : vector<32x2048xf32>
    %mul3A = arith.constant 0.00999999977 : f32
    %mul3A_10 = vector.broadcast %mul3A : f32 to vector<32x2048xf32>
    %mul3A_11 = arith.mulf %mul3A_10, %add3A_9 : vector<32x2048xf32>
    %max3A = arith.maximumf %add3A_9, %mul3A_11 : vector<32x2048xf32>
    %get3A_12 = arith.constant 0 : index
    %get3A_13 = arith.constant 0 : index
    %get3A_14 = vector.load %arg4[%get3A_12, %get3A_13] : memref<16x32xf32, #tpu.memory_space<vmem>>, vector<16x32xf32>
    %dot_general3A_15 = arith.constant dense<0.000000e+00> : vector<16x2048xf32>
    %dot_general3A_16 = tpu.matmul %get3A_14, %max3A, %dot_general3A_15 {dimension_numbers = #tpu.dot_dimension_numbers<[1], [0], [0], [1], [0, 0, 1, 1], [], []>, transpose_lhs_hint = false} : vector<16x32xf32>, vector<32x2048xf32>, vector<16x2048xf32> -> vector<16x2048xf32>
    %get3A_17 = arith.constant 0 : index
    %get3A_18 = arith.constant 0 : index
    %get3A_19 = vector.load %arg5[%get3A_17, %get3A_18] : memref<16x1xf32, #tpu.memory_space<vmem>>, vector<16x1xf32>
    %add3A_20 = vector.broadcast %get3A_19 : vector<16x1xf32> to vector<16x2048xf32>
    %add3A_21 = arith.addf %dot_general3A_16, %add3A_20 : vector<16x2048xf32>
    %mul3A_22 = arith.constant 0.00999999977 : f32
    %mul3A_23 = vector.broadcast %mul3A_22 : f32 to vector<16x2048xf32>
    %mul3A_24 = arith.mulf %mul3A_23, %add3A_21 : vector<16x2048xf32>
    %max3A_25 = arith.maximumf %add3A_21, %mul3A_24 : vector<16x2048xf32>
    %get3A_26 = arith.constant 0 : index
    %get3A_27 = arith.constant 0 : index
    %get3A_28 = vector.load %arg6[%get3A_26, %get3A_27] : memref<64x16xf32, #tpu.memory_space<vmem>>, vector<64x16xf32>
    %dot_general3A_29 = arith.constant dense<0.000000e+00> : vector<64x2048xf32>
    %dot_general3A_30 = tpu.matmul %get3A_28, %max3A_25, %dot_general3A_29 {dimension_numbers = #tpu.dot_dimension_numbers<[1], [0], [0], [1], [0, 0, 1, 1], [], []>, transpose_lhs_hint = false} : vector<64x16xf32>, vector<16x2048xf32>, vector<64x2048xf32> -> vector<64x2048xf32>
    %get3A_31 = arith.constant 0 : index
    %get3A_32 = arith.constant 0 : index
    %get3A_33 = vector.load %arg7[%get3A_31, %get3A_32] : memref<64x1xf32, #tpu.memory_space<vmem>>, vector<64x1xf32>
    %add3A_34 = vector.broadcast %get3A_33 : vector<64x1xf32> to vector<64x2048xf32>
    %add3A_35 = arith.addf %dot_general3A_30, %add3A_34 : vector<64x2048xf32>
    %reduce_max3A = arith.constant dense<0xFF800000> : vector<2048xf32>
    %reduce_max3A_36 = vector.multi_reduction <maximumf>, %add3A_35, %reduce_max3A [0] : vector<64x2048xf32> to vector<2048xf32>
    %broadcast_in_dim3A = vector.shape_cast %reduce_max3A_36 : vector<2048xf32> to vector<1x2048xf32>
    %iota3A = tpu.iota {dimensions = array<i32: 0>} : vector<64x2048xi32>
    %eq3A = vector.broadcast %broadcast_in_dim3A : vector<1x2048xf32> to vector<64x2048xf32>
    %eq3A_37 = arith.cmpf oeq, %add3A_35, %eq3A : vector<64x2048xf32>
    %jit3A = arith.constant 64 : i32
    %broadcast_in_dim3A_38 = vector.broadcast %jit3A : i32 to vector<64x2048xi32>
    %select_n3A = arith.select %eq3A_37, %iota3A, %broadcast_in_dim3A_38 : vector<64x2048xi1>, vector<64x2048xi32>
    %reduce_min3A = arith.constant dense<2147483647> : vector<2048xi32>
    %reduce_min3A_39 = vector.multi_reduction <minsi>, %select_n3A, %reduce_min3A [0] : vector<64x2048xi32> to vector<2048xi32>
    %broadcast_in_dim3A_40 = vector.shape_cast %reduce_min3A_39 : vector<2048xi32> to vector<1x2048xi32>
    %swap3A = arith.constant 0 : index
    %swap3A_41 = arith.constant 0 : index
    %swap3A_42 = vector.load %arg9[%swap3A, %swap3A_41] : memref<1x2048xi32, #tpu.memory_space<vmem>>, vector<1x2048xi32>
    tpu.vector_store %arg9[%swap3A, %swap3A_41], %broadcast_in_dim3A_40 {strides = array<i32>} : memref<1x2048xi32, #tpu.memory_space<vmem>>, vector<1x2048xi32>,
    %eq3A_43 = vector.broadcast %broadcast_in_dim3A_40 : vector<1x2048xi32> to vector<64x2048xi32>
    %eq3A_44 = arith.cmpi eq, %iota3A, %eq3A_43 : vector<64x2048xi32>
    %convert_element_type3A = arith.extui %eq3A_44 : vector<64x2048xi1> to vector<64x2048xi32>
    %convert_element_type3A_45 = arith.sitofp %convert_element_type3A : vector<64x2048xi32> to vector<64x2048xf32>
    %get3A_46 = arith.constant 0 : index
    %get3A_47 = arith.constant 0 : index
    %get3A_48 = vector.load %arg8[%get3A_46, %get3A_47] : memref<2x64xf32, #tpu.memory_space<vmem>>, vector<2x64xf32>
    %dot_general3A_49 = arith.constant dense<0.000000e+00> : vector<2x2048xf32>
    %dot_general3A_50 = tpu.matmul %get3A_48, %convert_element_type3A_45, %dot_general3A_49 {dimension_numbers = #tpu.dot_dimension_numbers<[1], [0], [0], [1], [0, 0, 1, 1], [], []>, precision = #tpu.contract_precision<fp32>, transpose_lhs_hint = false} : vector<2x64xf32>, vector<64x2048xf32>, vector<2x2048xf32> -> vector<2x2048xf32>
    %swap3A_51 = arith.constant 0 : index
    %swap3A_52 = arith.constant 0 : index
    %swap3A_53 = vector.load %arg10[%swap3A_51, %swap3A_52] : memref<2x2048xf32, #tpu.memory_space<vmem>>, vector<2x2048xf32>
    tpu.vector_store %arg10[%swap3A_51, %swap3A_52], %dot_general3A_50 {strides = array<i32>} : memref<2x2048xf32, #tpu.memory_space<vmem>>, vector<2x2048xf32>,
    return
  }
  func.func @transform_0(%arg0: i32) -> (i32, i32) {
    %c0_i32 = arith.constant 0 : i32
    %c0_i32_0 = arith.constant 0 : i32
    return %arg0, %c0_i32 : i32, i32
  }
  func.func @transform_1(%arg0: i32) -> (i32, i32) {
    %c0_i32 = arith.constant 0 : i32
    %c0_i32_0 = arith.constant 0 : i32
    %c0_i32_1 = arith.constant 0 : i32
    return %c0_i32, %c0_i32_0 : i32, i32
  }
  func.func @transform_2(%arg0: i32) -> (i32, i32) {
    %c0_i32 = arith.constant 0 : i32
    %c0_i32_0 = arith.constant 0 : i32
    %c0_i32_1 = arith.constant 0 : i32
    return %c0_i32, %c0_i32_0 : i32, i32
  }
  func.func @transform_3(%arg0: i32) -> (i32, i32) {
    %c0_i32 = arith.constant 0 : i32
    %c0_i32_0 = arith.constant 0 : i32
    %c0_i32_1 = arith.constant 0 : i32
    return %c0_i32, %c0_i32_0 : i32, i32
  }
  func.func @transform_4(%arg0: i32) -> (i32, i32) {
    %c0_i32 = arith.constant 0 : i32
    %c0_i32_0 = arith.constant 0 : i32
    %c0_i32_1 = arith.constant 0 : i32
    return %c0_i32, %c0_i32_0 : i32, i32
  }
  func.func @transform_5(%arg0: i32) -> (i32, i32) {
    %c0_i32 = arith.constant 0 : i32
    %c0_i32_0 = arith.constant 0 : i32
    %c0_i32_1 = arith.constant 0 : i32
    return %c0_i32, %c0_i32_0 : i32, i32
  }
  func.func @transform_6(%arg0: i32) -> (i32, i32) {
    %c0_i32 = arith.constant 0 : i32
    %c0_i32_0 = arith.constant 0 : i32
    %c0_i32_1 = arith.constant 0 : i32
    return %c0_i32, %c0_i32_0 : i32, i32
  }
  func.func @transform_7(%arg0: i32) -> (i32, i32) {
    %c0_i32 = arith.constant 0 : i32
    %c0_i32_0 = arith.constant 0 : i32
    %c0_i32_1 = arith.constant 0 : i32
    return %c0_i32, %c0_i32_0 : i32, i32
  }
  func.func @transform_8(%arg0: i32) -> (i32, i32) {
    %c0_i32 = arith.constant 0 : i32
    %c0_i32_0 = arith.constant 0 : i32
    return %c0_i32, %arg0 : i32, i32
  }
  func.func @transform_9(%arg0: i32) -> (i32, i32) {
    %c0_i32 = arith.constant 0 : i32
    %c0_i32_0 = arith.constant 0 : i32
    return %c0_i32, %arg0 : i32, i32
  }
}

module attributes {stable_mosaic.version = 14 : i64} {
  func.func @_tail_body(%arg0: i32, %arg1: memref<2048x128xf32, #tpu.memory_space<vmem>>, %arg2: memref<2048x64xf32, #tpu.memory_space<vmem>>, %arg3: memref<2x2048xf32, #tpu.memory_space<vmem>>, %arg4: memref<1x2048xf32, #tpu.memory_space<vmem>>, %arg5: memref<1x1xf32, #tpu.memory_space<smem>>, %arg6: memref<1xf32, #tpu.memory_space<smem>>) attributes {dimension_semantics = [#tpu.dimension_semantics<arbitrary>], iteration_bounds = array<i64: 8>, scalar_prefetch = 0 : i64, scratch_operands = 1 : i64, tpu.core_type = #tpu.core_type<tc>, window_params = [{transform_indices = @transform_0, window_bounds = array<i64: 2048, 128>}, {transform_indices = @transform_1, window_bounds = array<i64: 2048, 64>}, {transform_indices = @transform_2, window_bounds = array<i64: 2, 2048>}, {transform_indices = @transform_3, window_bounds = array<i64: 1, 2048>}, {transform_indices = @transform_4, window_bounds = array<i64: 1, 1>}]} {
    %eq3A = arith.constant 0 : i32
    %eq3A_0 = arith.cmpi eq, %arg0, %eq3A : i32
    %convert_element_type3A = arith.extui %eq3A_0 : i1 to i32
    %cond3A = arith.constant 0 : i32
    %cond3A_1 = arith.cmpi ne, %convert_element_type3A, %cond3A : i32
    scf.if %cond3A_1 {
      %swap3A_45 = arith.constant 0.000000e+00 : f32
      %swap3A_46 = arith.constant 0 : index
      %swap3A_47 = memref.load %arg6[%swap3A_46] : memref<1xf32, #tpu.memory_space<smem>>
      memref.store %swap3A_45, %arg6[%swap3A_46] : memref<1xf32, #tpu.memory_space<smem>>
    } else {
    }
    %get3A = arith.constant 0 : index
    %get3A_2 = arith.constant 0 : index
    %get3A_3 = vector.load %arg1[%get3A, %get3A_2] : memref<2048x128xf32, #tpu.memory_space<vmem>>, vector<2048x128xf32>
    %transpose3A = tpu.transpose %get3A_3, [1, 0] : vector<2048x128xf32> -> vector<128x2048xf32>
    %get3A_4 = arith.constant 0 : index
    %get3A_5 = arith.constant 0 : index
    %get3A_6 = vector.load %arg2[%get3A_4, %get3A_5] : memref<2048x64xf32, #tpu.memory_space<vmem>>, vector<2048x64xf32>
    %transpose3A_7 = tpu.transpose %get3A_6, [1, 0] : vector<2048x64xf32> -> vector<64x2048xf32>
    %get3A_8 = arith.constant 0 : index
    %get3A_9 = arith.constant 0 : index
    %get3A_10 = vector.load %arg3[%get3A_8, %get3A_9] : memref<2x2048xf32, #tpu.memory_space<vmem>>, vector<2x2048xf32>
    %slice3A = vector.extract_strided_slice %transpose3A {offsets = [0, 0], sizes = [64, 2048], strides = [1, 1]} : vector<128x2048xf32> to vector<64x2048xf32>
    %mul3A = arith.mulf %slice3A, %transpose3A_7 : vector<64x2048xf32>
    %reduce_sum3A = arith.constant dense<0.000000e+00> : vector<2048xf32>
    %reduce_sum3A_11 = vector.multi_reduction <add>, %mul3A, %reduce_sum3A [0] : vector<64x2048xf32> to vector<2048xf32>
    %broadcast_in_dim3A = vector.shape_cast %reduce_sum3A_11 : vector<2048xf32> to vector<1x2048xf32>
    %slice3A_12 = vector.extract_strided_slice %get3A_10 {offsets = [0, 0], sizes = [1, 2048], strides = [1, 1]} : vector<2x2048xf32> to vector<1x2048xf32>
    %add3A = arith.addf %broadcast_in_dim3A, %slice3A_12 : vector<1x2048xf32>
    %slice3A_13 = vector.extract_strided_slice %transpose3A {offsets = [64, 0], sizes = [64, 2048], strides = [1, 1]} : vector<128x2048xf32> to vector<64x2048xf32>
    %mul3A_14 = arith.mulf %slice3A_13, %transpose3A_7 : vector<64x2048xf32>
    %reduce_sum3A_15 = arith.constant dense<0.000000e+00> : vector<2048xf32>
    %reduce_sum3A_16 = vector.multi_reduction <add>, %mul3A_14, %reduce_sum3A_15 [0] : vector<64x2048xf32> to vector<2048xf32>
    %broadcast_in_dim3A_17 = vector.shape_cast %reduce_sum3A_16 : vector<2048xf32> to vector<1x2048xf32>
    %slice3A_18 = vector.extract_strided_slice %get3A_10 {offsets = [1, 0], sizes = [1, 2048], strides = [1, 1]} : vector<2x2048xf32> to vector<1x2048xf32>
    %add3A_19 = arith.addf %broadcast_in_dim3A_17, %slice3A_18 : vector<1x2048xf32>
    %abs3A = math.absf %add3A_19 : vector<1x2048xf32>
    %add3A_20 = arith.constant 9.99999993E-9 : f32
    %add3A_21 = vector.broadcast %add3A_20 : f32 to vector<1x2048xf32>
    %add3A_22 = arith.addf %abs3A, %add3A_21 : vector<1x2048xf32>
    %get3A_23 = arith.constant 0 : index
    %get3A_24 = arith.constant 0 : index
    %get3A_25 = vector.load %arg4[%get3A_23, %get3A_24] : memref<1x2048xf32, #tpu.memory_space<vmem>>, vector<1x2048xf32>
    %sub3A = arith.subf %add3A, %get3A_25 : vector<1x2048xf32>
    %div3A = arith.divf %sub3A, %add3A_22 : vector<1x2048xf32>
    %get3A_26 = arith.constant 0 : index
    %get3A_27 = memref.load %arg6[%get3A_26] : memref<1xf32, #tpu.memory_space<smem>>
    %log3A = math.log %add3A_22 : vector<1x2048xf32>
    %mul3A_28 = arith.mulf %div3A, %div3A : vector<1x2048xf32>
    %mul3A_29 = arith.constant 5.000000e-01 : f32
    %mul3A_30 = vector.broadcast %mul3A_29 : f32 to vector<1x2048xf32>
    %mul3A_31 = arith.mulf %mul3A_30, %mul3A_28 : vector<1x2048xf32>
    %sub3A_32 = arith.subf %log3A, %mul3A_31 : vector<1x2048xf32>
    %reduce_sum3A_33 = vector.shape_cast %sub3A_32 : vector<1x2048xf32> to vector<1x1x2048xf32>
    %reduce_sum3A_34 = arith.constant dense<0.000000e+00> : vector<1xf32>
    %reduce_sum3A_35 = vector.multi_reduction <add>, %reduce_sum3A_33, %reduce_sum3A_34 [1, 2] : vector<1x1x2048xf32> to vector<1xf32>
    %reduce_sum3A_36 = vector.shape_cast %reduce_sum3A_35 : vector<1xf32> to vector<1x1x1xf32>
    %reduce_sum3A_37 = vector.extract %reduce_sum3A_36[0, 0, 0] : f32 from vector<1x1x1xf32>
    %add3A_38 = arith.addf %get3A_27, %reduce_sum3A_37 : f32
    %swap3A = arith.constant 0 : index
    %swap3A_39 = memref.load %arg6[%swap3A] : memref<1xf32, #tpu.memory_space<smem>>
    memref.store %add3A_38, %arg6[%swap3A] : memref<1xf32, #tpu.memory_space<smem>>
    %eq3A_40 = arith.constant 7 : i32
    %eq3A_41 = arith.cmpi eq, %arg0, %eq3A_40 : i32
    %convert_element_type3A_42 = arith.extui %eq3A_41 : i1 to i32
    %cond3A_43 = arith.constant 0 : i32
    %cond3A_44 = arith.cmpi ne, %convert_element_type3A_42, %cond3A_43 : i32
    scf.if %cond3A_44 {
      %get3A_45 = arith.constant 0 : index
      %get3A_46 = memref.load %arg6[%get3A_45] : memref<1xf32, #tpu.memory_space<smem>>
      %neg3A = arith.constant 0.000000e+00 : f32
      %neg3A_47 = arith.subf %neg3A, %get3A_46 : f32
      %div3A_48 = arith.constant 1.638400e+04 : f32
      %div3A_49 = arith.divf %neg3A_47, %div3A_48 : f32
      %swap3A_50 = arith.constant 0 : index
      %swap3A_51 = arith.constant 0 : index
      %swap3A_52 = memref.load %arg5[%swap3A_50, %swap3A_51] : memref<1x1xf32, #tpu.memory_space<smem>>
      memref.store %div3A_49, %arg5[%swap3A_50, %swap3A_51] : memref<1x1xf32, #tpu.memory_space<smem>>
    } else {
    }
    return
  }
  func.func @transform_0(%arg0: i32) -> (i32, i32) {
    %c0_i32 = arith.constant 0 : i32
    %c0_i32_0 = arith.constant 0 : i32
    return %arg0, %c0_i32 : i32, i32
  }
  func.func @transform_1(%arg0: i32) -> (i32, i32) {
    %c0_i32 = arith.constant 0 : i32
    %c0_i32_0 = arith.constant 0 : i32
    return %arg0, %c0_i32 : i32, i32
  }
  func.func @transform_2(%arg0: i32) -> (i32, i32) {
    %c0_i32 = arith.constant 0 : i32
    %c0_i32_0 = arith.constant 0 : i32
    return %c0_i32, %arg0 : i32, i32
  }
  func.func @transform_3(%arg0: i32) -> (i32, i32) {
    %c0_i32 = arith.constant 0 : i32
    %c0_i32_0 = arith.constant 0 : i32
    return %c0_i32, %arg0 : i32, i32
  }
  func.func @transform_4(%arg0: i32) -> (i32, i32) {
    %c0_i32 = arith.constant 0 : i32
    %c0_i32_0 = arith.constant 0 : i32
    %c0_i32_1 = arith.constant 0 : i32
    return %c0_i32, %c0_i32_0 : i32, i32
  }
}

</mosaic_0001>

<sc_bundles>
// kernel: _run.5.cloned.1.call-start
scs
__scs_entry_jumppad:
0x0: {  	(pc) =	sbr.rel $0x88, $3  }
0x1: {  	(tag) =	ssettag $0x0;
	lr =	simm.s32 $0x1  }
0x2: {  	[smem:$0x3F97] =	sst lr;
	_ =	strace $0xD0000000  }
0x3: {  	_ = 	snop  }
0x4: {  	_ = 	snop  }
0x5: {  	_ = 	snop  }
0x6: {  	_ = 	snop  }
0x7: {  	_ = 	snop  }
__scs_overlays_trampoline_lowered:
0x8: {  	[smem:$0x3FA6] =	sst s0  }
0x9: {  	[smem:$0x3FA7] =	sst s1  }
0xa: {  	[smem:$0x3FA8] =	sst s2  }
0xb: {  	[smem:$0x3FA9] =	sst s3  }
0xc: {  	[smem:$0x3FAA] =	sst s4  }
0xd: {  	[smem:$0x3FAB] =	sst s5  }
0xe: {  	[smem:$0x3FAC] =	sst s6  }
0xf: {  	[smem:$0x3FAD] =	sst s7  }
0x10: {  	[smem:$0x3FAE] =	sst s8  }
0x11: {  	[smem:$0x3FAF] =	sst s9;
	s0 =	simm.s32 @!p0 $0x0  }
0x12: {  	s1 =	sld [smem:$0x3F95];
	s0 =	simm.s32 @p0 $0x1  }
0x13: {  	[smem:$0x3FB0] =	sst s0;
	s0 =	simm.s32 @!p1 $0x0  }
0x14: {  	s2 =	sld [smem:$0x3F94];
	s0 =	simm.s32 @p1 $0x1  }
0x15: {  	[smem:$0x3FB1] =	sst s0;
	s0 =	simm.s32 @!p2 $0x0  }
0x16: {  	s3 =	sld [smem:$0x3FDB];
	s0 =	simm.s32 @p2 $0x1  }
0x17: {  	s4 =	simm.s32 $0x1BF5;
	[smem:$0x3FB3] =	sst s0  }
0x18: {  	s0 =	sld [smem:$0x3F96];
	_ =	swait.ge [sflag:s4], $0x0  }
0x19: {  	s7 =	sld [smem:$0x3F97]  }
0x1a: {  	s8 =	sadd.s32 $0xFFFFE003, lr  }
0x1b: {  	s9 =	sadd.s32 $0xFFFFFEF7, lr;
	s5 =	simm.s32 $0xFFFFFFFF;
	p2 =	slt.u32 s8, $0xFFFFF086  }
0x1c: {  	p1 =	slt.u32 s9, $0xF7A;
	s5 =	simm.s32 @!p2 $0x0  }
0x1d: {  	s5 =	simm.s32 @p1 $0x1;
	p0 =	seq.s32 s7, s2  }
0x1e: {  	s7 =	smul.u32 @!p0 $0xF7A, s2;
	p2 =	seq.s32 @!p0 s5, $0x0  }
0x1f: {  	s9 =	smul.u32 $0xF7A, s1;
	s8 =	simm.s32 @!p0 $0x1BF5;
	p2 =	por !p2, p0  }
0x20: {  	[sflag:s8] =	ssyncset.s32 @!p0 $0xFFFFF086;
	s6 =	sadd.s32 @!p0 s3, s7;
	s7 =	simm.s32 @!p0 $0x108  }
0x21: {  	s3 =	sadd.s32 s3, s9;
	s6 =	sadd.s32 @!p0 $0x88, s6;
	s7 =	simm.s32 @p2 $0x1082  }
0x22: {  	[simem:s7], [sflag:s8] =	dma.local @!p0 [hbm:s6], $0xF7A  }
0x23: {  	s9 =	sor.u32 $0xD0000000, s2;
	s6 =	simm.s32 $0x108;
	_ =	swait.ge @!p0 [sflag:s8], $0x0  }
0x24: {  	s3 =	sadd.s32 $0x88, s3;
	s6 =	simm.s32 @!p1 $0x1082;
	[sflag:s4] =	ssyncset.s32 $0xFFFFF086  }
0x25: {  	[simem:s6], [sflag:s4] =	dma.local [hbm:s3], $0xF7A  }
0x26: {  	[smem:$0x3F97] =	sst s1;
	(tag) =	ssettag s2;
	_ =	strace s9  }
0x27: {  	s1 =	sld [smem:$0x3FA7]  }
0x28: {  	s2 =	sld [smem:$0x3FA8]  }
0x29: {  	s4 =	sld [smem:$0x3FAA]  }
0x2a: {  	p0 =	seq.s32 s5, $0x0;
	s5 =	sld [smem:$0x3FAB]  }
0x2b: {  	s6 =	sld [smem:$0x3FAC]  }
0x2c: {  	s7 =	sld [smem:$0x3FAD]  }
0x2d: {  	s3 =	simm.s32 $0x108;
	s8 =	sld [smem:$0x3FAE]  }
0x2e: {  	s3 =	simm.s32 @!p0 $0x1082;
	s9 =	sld [smem:$0x3FAF]  }
0x2f: {  	lr =	sadd.s32 s0, s3;
	s0 =	sld [smem:$0x3FA6]  }
0x30: {  	s3 =	sld [smem:$0x3FA9]  }
0x31: {  	[smem:$0x3FB2] =	sst s10  }
0x32: {  	s10 =	sld [smem:$0x3FB0];
	_ =	sdelay $0x3  }
0x33: {  	p0 =	seq.s32 s10, $0x1;
	s10 =	sld [smem:$0x3FB2];
	_ =	sdelay $0x3  }
0x34: {  	[smem:$0x3FB2] =	sst s10  }
0x35: {  	s10 =	sld [smem:$0x3FB1];
	_ =	sdelay $0x3  }
0x36: {  	p1 =	seq.s32 s10, $0x1;
	s10 =	sld [smem:$0x3FB2];
	_ =	sdelay $0x3  }
0x37: {  	[smem:$0x3FB2] =	sst s10  }
0x38: {  	s10 =	sld [smem:$0x3FB3]  }
0x39: {  	_ = 	snop;
	(pc) =	sbr.ind lr, $3  }
0x3a: {  	_ = 	snop  }
0x3b: {  	_ = 	snop  }
0x3c: {  	p2 =	seq.s32 s10, $0x1;
	s10 =	sld [smem:$0x3FB2]  }
0x3d: {  	_ =	shalt  }
0x3e: {  	_ =	shalt  }
0x3f: {  	_ =	shalt  }
0x40: {  	_ =	shalt  }
0x41: {  	_ =	shalt  }
0x42: {  	_ =	shalt  }
0x43: {  	_ =	shalt  }
0x44: {  	_ =	shalt  }
0x45: {  	_ =	shalt  }
0x46: {  	_ =	shalt  }
0x47: {  	_ =	shalt  }
0x48: {  	_ =	shalt  }
0x49: {  	_ =	shalt  }
0x4a: {  	_ =	shalt  }
0x4b: {  	_ =	shalt  }
0x4c: {  	_ =	shalt  }
0x4d: {  	_ =	shalt  }
0x4e: {  	_ =	shalt  }
0x4f: {  	_ =	shalt  }
0x50: {  	_ =	shalt  }
0x51: {  	_ =	shalt  }
0x52: {  	_ =	shalt  }
0x53: {  	_ =	shalt  }
0x54: {  	_ =	shalt  }
0x55: {  	_ =	shalt  }
0x56: {  	_ =	shalt  }
0x57: {  	_ =	shalt  }
0x58: {  	_ =	shalt  }
0x59: {  	_ =	shalt  }
0x5a: {  	_ =	shalt  }
0x5b: {  	_ =	shalt  }
0x5c: {  	_ =	shalt  }
0x5d: {  	_ =	shalt  }
0x5e: {  	_ =	shalt  }
0x5f: {  	_ =	shalt  }
0x60: {  	_ =	shalt  }
0x61: {  	_ =	shalt  }
0x62: {  	_ =	shalt  }
0x63: {  	_ =	shalt  }
0x64: {  	_ =	shalt  }
0x65: {  	_ =	shalt  }
0x66: {  	_ =	shalt  }
0x67: {  	_ =	shalt  }
0x68: {  	_ =	shalt  }
0x69: {  	_ =	shalt  }
0x6a: {  	_ =	shalt  }
0x6b: {  	_ =	shalt  }
0x6c: {  	_ =	shalt  }
0x6d: {  	_ =	shalt  }
0x6e: {  	_ =	shalt  }
0x6f: {  	_ =	shalt  }
0x70: {  	_ =	shalt  }
0x71: {  	_ =	shalt  }
0x72: {  	_ =	shalt  }
0x73: {  	_ =	shalt  }
0x74: {  	_ =	shalt  }
0x75: {  	_ =	shalt  }
0x76: {  	_ =	shalt  }
0x77: {  	_ =	shalt  }
0x78: {  	_ =	shalt  }
0x79: {  	_ =	shalt  }
0x7a: {  	_ =	shalt  }
0x7b: {  	_ =	shalt  }
0x7c: {  	_ =	shalt  }
0x7d: {  	_ =	shalt  }
0x7e: {  	_ =	shalt  }
0x7f: {  	_ =	shalt  }
0x80: {  	_ =	shalt  }
0x81: {  	_ =	shalt  }
0x82: {  	_ =	shalt  }
0x83: {  	_ =	shalt  }
0x84: {  	_ =	shalt  }
0x85: {  	_ =	shalt  }
0x86: {  	_ =	shalt  }
0x87: {  	_ =	shalt  }
.Lfunc_end0:
.L_simem_size_0:
called_computation_lowered:
.L_overlay_start_0:
0x88: {  	s2 =	sld [smem:$0x3FD9]  }
0x89: {  	s3 =	sld [smem:$0x3FFE];
	_ =	sdelay $0x1  }
0x8a: {  	s1 =	srdreg.scid  }
0x8b: {  	s0 =	sand.u32 $0x1, s1  }
0x8c: {  	s16 =	sshll.u32 s0, $0xA;
	s2 =	sadd.s32 s3, s2  }
0x8d: {  	s2 =	sadd.s32 s2, s16  }
0x8e: {  	[smem:$0x3FBE] =	sst s2  }
0x8f: {  	_ = 	snop  }
0x90: {  	(tm) =	ssettm $0x1  }
0x91: {  	s17 =	sld [smem:$0x3FFB];
	_ =	sdelay $0x3  }
0x92: {  	_ =	strace s17  }
0x93: {  	s2 =	sld [smem:$0x3FFC];
	_ =	sdelay $0x3  }
0x94: {  	_ =	strace s2  }
0x95: {  	s2 =	sld [smem:$0x3FFD];
	_ =	sdelay $0x3  }
0x96: {  	_ =	strace s2  }
0x97: {  	_ =	strace $0x8FFFFFFF  }
0x98: {  	s18 =	sld [smem:$0x3FDB];
	_ =	sdelay $0x1  }
0x99: {  	s19 =	simm.s32 $_scs_section_size  }
0x9a: {  	s4 =	simm.s32 $_size__tile_overlayer_lowered;
	s5 =	simm.s32 $_tile_overlayer_lowered  }
0x9b: {  	s22 =	simm.s32 $0x1BFF;
	s21 =	sshll.u32 s5, $0x1;
	s2 =	sadd.s32 s19, s18  }
0x9c: {  	s6 =	simm.s32 $0x0;
	s20 =	sshll.u32 s4, $0x1;
	s4 =	sadd.s32 s21, s2  }
0x9d: {  	[timem:s6], [sflag:s22] =	dma.local [hbm:s4], s20  }
0x9e: {  	_ =	swait.ge [sflag:s22], s20  }
0x9f: {  	s3 =	ssub.s32 $0x0, s20;
	[sflag:s22] =	ssyncset.done $0x0  }
0xa0: {  	[sflag:s22] =	ssyncadd.s32 s3;
	_ =	sdelay $0x1  }
0xa1: {  	s23 =	simm.s32 $0x1B8B  }
0xa2: {  	_ =	swait.ge [sflag:s23], $0x1  }
0xa3: {  	[sflag:s23] =	ssyncset.done $0x0  }
0xa4: {  	s25 =	simm.s32 $0x1B8E;
	s24 =	sld [smem:$0x3FFE];
	[sflag:s23] =	ssyncadd.s32 $0xFFFFFFFF  }
0xa5: {  	s26 =	simm.s32 $execute0_lowered;
	[smem:$0x3FD2] =	sst s25  }
0xa6: {  	s4 =	sshll.u32 s26, $0x1;
	_ =	strace $0x80000046;
	[dreg:$0x1] =	wrdreg $0xFFFFFFFF  }
0xa7: {  	s28 =	simm.s32 $_size_execute0_lowered;
	s2 =	sadd.s32 s2, s4;
	[dreg:$0x0] =	wrdreg $0x0  }
0xa8: {  	s4 =	sshll.u32 s28, $0x1;
	[dreg:$0x2] =	wrdreg s2  }
0xa9: {  	[dreg:$0x3] =	wrdreg s4  }
0xaa: {  	[dreg:$0x4] =	wrdreg $0xC0  }
0xab: {  	_ =	task [dreg:s6], $0x5FFFF  }
0xac: {  	[dreg:$0x1] =	wrdreg $0xFFFFFFFF  }
0xad: {  	[dreg:$0x0] =	wrdreg $0x60  }
0xae: {  	[dreg:$0x2] =	wrdreg s24  }
0xaf: {  	[dreg:$0x3] =	wrdreg $0x9  }
0xb0: {  	_ =	task.clear_ibuf [dreg:s6], $0x4FFFF;
	_ =	strace $0x90000046  }
0xb1: {  	s29 =	simm.s32 $0x9;
	_ =	strace $0x80000048  }
0xb2: {  	_ =	swait.ge [sflag:s29], $0x1  }
0xb3: {  	[sflag:s29] =	ssyncadd.s32 $0xFFFFFFFF  }
0xb4: {  	_ =	strace $0x90000048  }
0xb5: {  	_ =	sfence  }
0xb6: {  	s30 =	sld [smem:$0x0];
	_ =	sdelay $0x2  }
0xb7: {  	s31 =	sshll.u32 s1, $0xD;
	s1 =	sshrl.u32 s1, $0x2  }
0xb8: {  	s3 =	sand.u32 $0x4000, s31;
	s1 =	sadd.s32 s1, s30  }
0xb9: {  	s0 =	sor.u32 s3, s0;
	s1 =	sshll.u32 s1, $0x11  }
0xba: {  	s0 =	sor.u32 s1, s0  }
0xbb: {  	s0 =	sadd.s32 $0x8F2B, s0  }
0xbc: {  	[sflag:s0] =	ssyncadd.remote.s32 $0x1  }
0xbd: {  	_ =	sfence.sel $0xFFFF  }
0xbe: {  	[dreg:$0x0] =	wrdreg $0xFFFFFFFF;
	(pc) =	sbr.abs _section_cstart, $3  }
0xbf: {  	[dreg:$0x1] =	wrdreg $0xFFFFFFFF  }
0xc0: {  	_ =	task.clear_ibuf [dreg:s6], $0x2FFFF;
	_ =	strace $0x9FFFFFFF  }
0xc1: {  	(tm) =	ssettm $0x7FFFFFFF  }
tec
execute0_lowered:
.L_overlay_start_1:
0x0: {  	(tag) =	ssettag $0x1  }
0x1: {  	s1 =	srdreg.scid  }
0x2: {  	s0 =	stileid.u32;
	s6 =	sand.u32 $0x1, s1  }
0x3: {  	s8 =	rddreg [dreg:$0x0];
	s30 =	sshll.u32 s0, $0xA;
	s2 =	sshll.u32 s6, $0x9  }
0x4: {  	s7 =	simm.s32 $0x1;
	s1 =	rddreg [dreg:$0x1];
	s9 =	sor.u32 s2, s30  }
0x5: {  	s5 =	sadd.s32 $0x1600, s8;
	s2 =	simm.s32 $0x0;
	s3 =	sshrl.u32 s9, $0x3  }
0x6: {  	s10 =	ssub.s32 $0x2, s6;
	[smem:$0x7FF] =	sst s2;
	s3 =	sadd.s32 s3, s8  }
0x7: {  	_ =	strace $0x80000047;
	s4 =	sadd.s32 $0x1A00, s3;
	s3 =	simm.s32 $0x2  }
0x8: {  	[tilespmem:s2], [sflag:$0x2] =	stream.linear.gather [hbm4b:s4+s2], $0x200, $0x38;
	[tilespmem:$0x10200] =	vst v63  }
0x9: {  	s6 =	simm.s32 $0x200;
	s11 =	sshrl.u32 s10, $0x1;
	_ =	swait.ge [sflag:s3], $0x200  }
0xa: {  	s9 =	sshll.u32 s9, $0x4;
	s31 =	ssub.s32 s10, s11;
	[sflag:s3] =	ssyncset.done $0x0  }
0xb: {  	s8 =	sadd.s32 s9, s8;
	s9 =	smax.u32 s31, $0x1;
	[sflag:s3] =	ssyncadd.s32 $0xFFFFFE00  }
0xc: {  	[tilespmem:s6], [sflag:$0x1] =	stream.indirect.gather [hbm4b:s5+s6], $0x80, s2, s6, $0xb8;
	[tilespmem:$0x10200] =	vst v63  }
0xd: {  	p0 =	sne.s32 s9, $0x1;
	_ =	swait.ge [sflag:s7], $0x10000  }
.Ltmp0:
0xe: {  	[sflag:s7] =	ssyncset.done $0x0;
	(pc) =	sbr.rel @!p0 .LBB2_2-.Ltmp0, $4  }
0xf: {  	s8 =	sadd.s32 $0x2200, s8;
	[sflag:s7] =	ssyncadd.s32 $0xFFFF0000  }
0x10: {  	[hbm4b:s8+s2] =	stream.linear.scatter [tilespmem:s6], [sflag:$0x2], $0x10000, $0x38;
	[tilespmem:$0x10200] =	vst v63  }
0x11: {  	_ =	swait.ge [sflag:s3], $0x10000  }
0x12: {  	s9 =	sadd.s32 $0xFFFFFFFF, s9;
	[sflag:s3] =	ssyncset.done $0x0  }
.LBB2_1:
0x13: {  	p0 =	sne.s32 s9, $0x1;
	s9 =	sadd.s32 $0xFFFFFFFF, s9;
	[sflag:s3] =	ssyncadd.s32 $0xFFFF0000  }
0x14: {  	[tilespmem:s2], [sflag:$0x2] =	stream.linear.gather [hbm4b:s4+s2], $0x200, $0x38;
	[tilespmem:$0x10200] =	vst v63  }
0x15: {  	_ =	swait.ge [sflag:s3], $0x200  }
0x16: {  	[sflag:s3] =	ssyncset.done $0x0  }
0x17: {  	[sflag:s3] =	ssyncadd.s32 $0xFFFFFE00  }
0x18: {  	[tilespmem:s6], [sflag:$0x1] =	stream.indirect.gather [hbm4b:s5+s6], $0x80, s2, s6, $0xb8;
	[tilespmem:$0x10200] =	vst v63  }
0x19: {  	_ =	swait.ge [sflag:s7], $0x10000  }
.Ltmp1:
0x1a: {  	[sflag:s7] =	ssyncset.done $0x0;
	(pc) =	sbr.rel @p0 .LBB2_1-.Ltmp1, $4  }
0x1b: {  	[sflag:s7] =	ssyncadd.s32 $0xFFFF0000  }
0x1c: {  	[hbm4b:s8+s2] =	stream.linear.scatter [tilespmem:s6], [sflag:$0x2], $0x10000, $0x38;
	[tilespmem:$0x10200] =	vst v63  }
0x1d: {  	_ =	swait.ge [sflag:s3], $0x10000  }
0x1e: {  	[sflag:s3] =	ssyncset.done $0x0  }
.LBB2_2:
0x1f: {  	[sflag:s3] =	ssyncadd.s32 $0xFFFF0000  }
0x20: {  	_ =	sfence.sel $0x180000  }
0x21: {  	[bflag:$0x0] =	sbarrier.arrive $0xFFFF  }
0x22: {  	p0 =	sne.s32 s0, $0x0;
	_ =	strace $0x90000047  }
0x23: {  	s0 =	sadd.s32 @!p0 $0x100000, s1;
	[bflag:$0x2] =	sbarrier.arrive $0xFFFF  }
0x24: {  	[sflag:s0] =	ssyncadd.tile.s32 @!p0 $0x1;
	_ =	shalt  }
.Lfunc_end2:
_tile_overlayer_lowered:
.L_overlay_start_2:
0x25: {  	(tag) =	ssettag $0x2  }
0x26: {  	s0 =	rddreg [dreg:$0x0];
	s2 =	stileid.u32  }
0x27: {  	s1 =	rddreg [dreg:$0x1];
	p0 =	sne.s32 s2, $0x0  }
0x28: {  	s3 =	rddreg [dreg:$0x2];
	[bflag:$0x3] =	sbarrier.arrive $0xFFFF;
	s2 =	simm.s32 @!p0 $0x1C02  }
0x29: {  	[timem:s3], [sflag:s2] =	dma.local @!p0 [hbm:s0], s1  }
0x2a: {  	s0 =	simm.s32 @!p0 $0x2  }
0x2b: {  	_ =	swait.ge @!p0 [sflag:s0], s1  }
0x2c: {  	s1 =	ssub.s32 @!p0 $0x0, s1;
	[sflag:s0] =	ssyncset.done @!p0 $0x0  }
0x2d: {  	[sflag:s0] =	ssyncadd.s32 @!p0 s1  }
0x2e: {  	[bflag:$0x3] =	sbarrier.arrive $0xFFFF  }
0x2f: {  	_ =	shalt  }

</sc_bundles>
